<compile_context>
chip_gen: v7x
topology: tpu7x:2x2x1
jax: 0.10.2.dev20260603
libtpu: 0.0.44.dev20260713+nightly
codegen_flags: <defaults>
</compile_context>

<pallas_src>
import functools

import jax
import jax.numpy as jnp
from jax import lax
from jax.experimental import pallas as pl
from jax.experimental.pallas import tpu as pltpu
from jax.experimental.pallas import tpu_sc as plsc

_N = 1_000_000
_D = 64
_Q = 64
_C = 32_768
_GRID = -(-_N // _C)
_LAST_VALID = _N - (_GRID - 1) * _C
_EPS = 1e-12


def _topk_body(q_ref, mt_ref, conf_ref, idx_ref, qn_buf):
    i = pl.program_id(0)

    @pl.when(i == 0)
    def _init():
        conf_ref[...] = jnp.full((1, _Q), -jnp.inf, jnp.float32)
        idx_ref[...] = jnp.zeros((1, _Q), jnp.int32)
        q = q_ref[...]
        qn_buf[...] = q / jnp.maximum(
            jnp.sqrt(jnp.sum(q * q, axis=1, keepdims=True)), _EPS)

    qn = qn_buf[...]
    mt = mt_ref[...]
    colf = lax.broadcasted_iota(jnp.int32, (1, _C), 1).astype(jnp.float32)

    n = jnp.maximum(jnp.sqrt(jnp.sum(mt * mt, axis=0, keepdims=True)), _EPS)
    thresh = jnp.where(i == _GRID - 1, float(_LAST_VALID), jnp.inf)
    n = jnp.where(colf >= thresh, jnp.inf, n)
    mn = mt * (1.0 / n)
    sims = lax.dot_general(qn, mn, (((1,), (0,)), ((), ())),
                           preferred_element_type=jnp.float32)

    local_max = jnp.max(sims, axis=1)
    local_arg = jnp.min(
        jnp.where(sims == local_max[:, None], colf, float(_C)),
        axis=1).astype(jnp.int32)

    run_v = conf_ref[0, :]
    upd = local_max > run_v
    conf_ref[0, :] = jnp.where(upd, local_max, run_v)
    idx_ref[0, :] = jnp.where(upd, i * _C + local_arg, idx_ref[0, :])


_topk_call = pl.pallas_call(
    _topk_body,
    grid=(_GRID,),
    in_specs=[
        pl.BlockSpec((_Q, _D), lambda i: (0, 0)),
        pl.BlockSpec((_D, _C), lambda i: (0, i)),
    ],
    out_specs=[
        pl.BlockSpec((1, _Q), lambda i: (0, 0)),
        pl.BlockSpec((1, _Q), lambda i: (0, 0)),
    ],
    out_shape=[
        jax.ShapeDtypeStruct((1, _Q), jnp.float32),
        jax.ShapeDtypeStruct((1, _Q), jnp.int32),
    ],
    scratch_shapes=[pltpu.VMEM((_Q, _D), jnp.float32)],
)


def _sc_gather_body(values_hbm, idx_hbm, out_hbm, idx_v, rows_v, sem):
    wid = lax.axis_index("s") * 2 + lax.axis_index("c")

    @pl.when(wid == 0)
    def _():
        pltpu.sync_copy(idx_hbm, idx_v)
        pltpu.async_copy(values_hbm.at[idx_v], rows_v, sem).wait()
        pltpu.sync_copy(rows_v, out_hbm)


_sc_gather = functools.partial(
    pl.kernel,
    out_type=jax.ShapeDtypeStruct((_Q,), jnp.int32),
    mesh=plsc.VectorSubcoreMesh(core_axis_name="c", subcore_axis_name="s"),
    scratch_types=[
        pltpu.VMEM((_Q,), jnp.int32),
        pltpu.VMEM((_Q,), jnp.int32),
        pltpu.SemaphoreType.DMA,
    ],
)(_sc_gather_body)


def kernel(query_features, memory_keys, memory_values):
    mt = memory_keys.T
    conf2, idx2 = _topk_call(query_features, mt)
    confidence = conf2[0]
    indices = idx2[0]
    retrieved = _sc_gather(memory_values, indices)
    return retrieved, confidence

# --- scband reference (transcript-rebuilt; emitter-appended) ---
"""Pipeline reference for scband-cached-memory-1348619731447 (READ-ONLY COPY).

The authoritative reference and input builder live on the scoring server;
editing this copy changes nothing except your own understanding.
"""

import jax, jax.numpy as jnp
import numpy as np


def _normalize(x, eps=1e-12):
    # Equivalent of torch.nn.functional.normalize(x, p=2, dim=1)
    n = jnp.linalg.norm(x, ord=2, axis=1, keepdims=True)
    return x / jnp.clip(n, eps)


def setup_inputs(seed: int = 0) -> dict:
    key = jax.random.key(seed)
    k1, k2, k3 = jax.random.split(key, 3)
    query_features = jax.random.normal(k1, (64, 64), dtype=jnp.float32)
    # Learned/cached state of the module: a full memory bank of keys + labels
    memory_keys = jax.random.normal(k2, (1000000, 64), dtype=jnp.float32)
    memory_values = jax.random.randint(k3, (1000000,), 0, 1000, dtype=jnp.int32)
    return {
        "query_features": query_features,
        "memory_keys": memory_keys,
        "memory_values": memory_values,
    }


def reference(query_features, memory_keys, memory_values):
    # Faithful translation of CachedMemory.retrieve with a populated memory bank.
    query_normalized = _normalize(query_features)
    memory_normalized = _normalize(memory_keys)
    similarities = jnp.matmul(query_normalized, memory_normalized.T)
    confidence_scores = jnp.max(similarities, axis=1)
    indices = jnp.argmax(similarities, axis=1)
    retrieved_classes = jnp.take(memory_values, indices, axis=0)
    return retrieved_classes, confidence_scores

if __name__ == "__main__":
    import jax
    _d = setup_inputs()
    print(jax.jit(kernel)(*tuple(_d.values())))

</pallas_src>

<mosaic_0001>
#map = affine_map<(d0, d1) -> (0)>
module attributes {stable_mosaic.version = 14 : i64} {
  func.func @_sc_gather_body(%arg0: i32, %arg1: i32, %arg2: memref<1000000xi32, #tpu.memory_space<hbm>>, %arg3: memref<64xi32, #tpu.memory_space<hbm>>, %arg4: memref<64xi32, #tpu.memory_space<hbm>>, %arg5: memref<64xi32, #tpu.memory_space<vmem>>, %arg6: memref<64xi32, #tpu.memory_space<vmem>>, %arg7: memref<!tpu.dma_semaphore, #tpu.memory_space<semaphore_mem>>) attributes {dimension_semantics = [#tpu.dimension_semantics<core_parallel>, #tpu.dimension_semantics<subcore_parallel>], iteration_bounds = array<i64: 2, 16>, scalar_prefetch = 0 : i64, scratch_operands = 3 : i64, tpu.core_type = #tpu.core_type<sc_vector_subcore>, window_params = [{transform_indices = #map}, {transform_indices = #map}, {transform_indices = #map}]} {
    %mul3A = arith.constant 2 : i32
    %mul3A_0 = arith.muli %arg1, %mul3A : i32
    %add3A = arith.addi %mul3A_0, %arg0 : i32
    %eq3A = arith.constant 0 : i32
    %eq3A_1 = arith.cmpi eq, %add3A, %eq3A : i32
    %convert_element_type3A = arith.extui %eq3A_1 : i1 to i32
    %cond3A = arith.constant 0 : i32
    %cond3A_2 = arith.cmpi ne, %convert_element_type3A, %cond3A : i32
    scf.if %cond3A_2 {
      "tpu.region"() ({
        %run_scoped3A = tpu.sem_alloc : memref<!tpu.dma_semaphore, #tpu.memory_space<semaphore_mem>>
        tpu.enqueue_dma source(%arg3 : memref<64xi32, #tpu.memory_space<hbm>>) target(%arg5 : memref<64xi32, #tpu.memory_space<vmem>>) target_semaphore(%run_scoped3A : memref<!tpu.dma_semaphore, #tpu.memory_space<semaphore_mem>>)
        tpu.wait_dma2 semaphore(%run_scoped3A : memref<!tpu.dma_semaphore, #tpu.memory_space<semaphore_mem>>) src(%arg3 : memref<64xi32, #tpu.memory_space<hbm>>) dst(%arg5 : memref<64xi32, #tpu.memory_space<vmem>>)
        tpu.yield
      }) : () -> ()
      %dma_start3A = arith.constant 0 : i32
      %dma_start3A_3 = tpu.memref_slice %arg2[%dma_start3A] : memref<1000000xi32, #tpu.memory_space<hbm>> -> memref<1000000xi32, #tpu.memory_space<hbm>>
      tpu.enqueue_indirect_dma source(%dma_start3A_3 : memref<1000000xi32, #tpu.memory_space<hbm>>) target(%arg6 : memref<64xi32, #tpu.memory_space<vmem>>) offsets(%arg5 : memref<64xi32, #tpu.memory_space<vmem>>) semaphore(%arg7 : memref<!tpu.dma_semaphore, #tpu.memory_space<semaphore_mem>>)
      %dma_wait3A = arith.constant 0 : i32
      %dma_wait3A_4 = tpu.memref_slice %arg2[%dma_wait3A] : memref<1000000xi32, #tpu.memory_space<hbm>> -> memref<1000000xi32, #tpu.memory_space<hbm>>
      tpu.wait_indirect_dma semaphore(%arg7 : memref<!tpu.dma_semaphore, #tpu.memory_space<semaphore_mem>>) src(%dma_wait3A_4 : memref<1000000xi32, #tpu.memory_space<hbm>>) dst(%arg6 : memref<64xi32, #tpu.memory_space<vmem>>)
      "tpu.region"() ({
        %run_scoped3A = tpu.sem_alloc : memref<!tpu.dma_semaphore, #tpu.memory_space<semaphore_mem>>
        tpu.enqueue_dma source(%arg6 : memref<64xi32, #tpu.memory_space<vmem>>) target(%arg4 : memref<64xi32, #tpu.memory_space<hbm>>) target_semaphore(%run_scoped3A : memref<!tpu.dma_semaphore, #tpu.memory_space<semaphore_mem>>)
        tpu.wait_dma2 semaphore(%run_scoped3A : memref<!tpu.dma_semaphore, #tpu.memory_space<semaphore_mem>>) src(%arg6 : memref<64xi32, #tpu.memory_space<vmem>>) dst(%arg4 : memref<64xi32, #tpu.memory_space<hbm>>)
        tpu.yield
      }) : () -> ()
    } else {
    }
    return
  }
}

module attributes {stable_mosaic.version = 14 : i64} {
  func.func @_topk_body(%arg0: i32, %arg1: memref<64x64xf32, #tpu.memory_space<vmem>>, %arg2: memref<64x32768xf32, #tpu.memory_space<vmem>>, %arg3: memref<1x64xf32, #tpu.memory_space<vmem>>, %arg4: memref<1x64xi32, #tpu.memory_space<vmem>>, %arg5: memref<64x64xf32, #tpu.memory_space<vmem>>) attributes {dimension_semantics = [#tpu.dimension_semantics<arbitrary>], iteration_bounds = array<i64: 31>, scalar_prefetch = 0 : i64, scratch_operands = 1 : i64, tpu.core_type = #tpu.core_type<tc>, window_params = [{pipeline_mode = #tpu.pipeline_mode<synchronous>, transform_indices = @transform_0, window_bounds = array<i64: 64, 64>}, {transform_indices = @transform_1, window_bounds = array<i64: 64, 32768>}, {pipeline_mode = #tpu.pipeline_mode<synchronous>, transform_indices = @transform_2, window_bounds = array<i64: 1, 64>}, {pipeline_mode = #tpu.pipeline_mode<synchronous>, transform_indices = @transform_3, window_bounds = array<i64: 1, 64>}]} {
    %eq3A = arith.constant 0 : i32
    %eq3A_0 = arith.cmpi eq, %arg0, %eq3A : i32
    %convert_element_type3A = arith.extui %eq3A_0 : i1 to i32
    %cond3A = arith.constant 0 : i32
    %cond3A_1 = arith.cmpi ne, %convert_element_type3A, %cond3A : i32
    scf.if %cond3A_1 {
      %broadcast_in_dim3A_56 = arith.constant 0xFF800000 : f32
      %broadcast_in_dim3A_57 = vector.broadcast %broadcast_in_dim3A_56 : f32 to vector<1x64xf32>
      %swap3A_58 = arith.constant 0 : index
      %swap3A_59 = arith.constant 0 : index
      %swap3A_60 = vector.load %arg3[%swap3A_58, %swap3A_59] : memref<1x64xf32, #tpu.memory_space<vmem>>, vector<1x64xf32>
      tpu.vector_store %arg3[%swap3A_58, %swap3A_59], %broadcast_in_dim3A_57 {strides = array<i32>} : memref<1x64xf32, #tpu.memory_space<vmem>>, vector<1x64xf32>,
      %broadcast_in_dim3A_61 = arith.constant 0 : i32
      %broadcast_in_dim3A_62 = vector.broadcast %broadcast_in_dim3A_61 : i32 to vector<1x64xi32>
      %swap3A_63 = arith.constant 0 : index
      %swap3A_64 = arith.constant 0 : index
      %swap3A_65 = vector.load %arg4[%swap3A_63, %swap3A_64] : memref<1x64xi32, #tpu.memory_space<vmem>>, vector<1x64xi32>
      tpu.vector_store %arg4[%swap3A_63, %swap3A_64], %broadcast_in_dim3A_62 {strides = array<i32>} : memref<1x64xi32, #tpu.memory_space<vmem>>, vector<1x64xi32>,
      %get3A_66 = arith.constant 0 : index
      %get3A_67 = arith.constant 0 : index
      %get3A_68 = vector.load %arg1[%get3A_66, %get3A_67] : memref<64x64xf32, #tpu.memory_space<vmem>>, vector<64x64xf32>
      %mul3A_69 = arith.mulf %get3A_68, %get3A_68 : vector<64x64xf32>
      %reduce_sum3A_70 = arith.constant dense<0.000000e+00> : vector<64xf32>
      %reduce_sum3A_71 = vector.multi_reduction <add>, %mul3A_69, %reduce_sum3A_70 [1] : vector<64x64xf32> to vector<64xf32>
      %broadcast_in_dim3A_72 = vector.shape_cast %reduce_sum3A_71 : vector<64xf32> to vector<64x1xf32>
      %sqrt3A_73 = math.sqrt %broadcast_in_dim3A_72 : vector<64x1xf32>
      %max3A_74 = arith.constant 9.99999996E-13 : f32
      %max3A_75 = vector.broadcast %max3A_74 : f32 to vector<64x1xf32>
      %max3A_76 = arith.maximumf %sqrt3A_73, %max3A_75 : vector<64x1xf32>
      %div3A_77 = vector.broadcast %max3A_76 : vector<64x1xf32> to vector<64x64xf32>
      %div3A_78 = arith.divf %get3A_68, %div3A_77 : vector<64x64xf32>
      %swap3A_79 = arith.constant 0 : index
      %swap3A_80 = arith.constant 0 : index
      %swap3A_81 = vector.load %arg5[%swap3A_79, %swap3A_80] : memref<64x64xf32, #tpu.memory_space<vmem>>, vector<64x64xf32>
      tpu.vector_store %arg5[%swap3A_79, %swap3A_80], %div3A_78 {strides = array<i32>} : memref<64x64xf32, #tpu.memory_space<vmem>>, vector<64x64xf32>,
    } else {
    }
    %get3A = arith.constant 0 : index
    %get3A_2 = arith.constant 0 : index
    %get3A_3 = vector.load %arg5[%get3A, %get3A_2] : memref<64x64xf32, #tpu.memory_space<vmem>>, vector<64x64xf32>
    %get3A_4 = arith.constant 0 : index
    %get3A_5 = arith.constant 0 : index
    %get3A_6 = vector.load %arg2[%get3A_4, %get3A_5] : memref<64x32768xf32, #tpu.memory_space<vmem>>, vector<64x32768xf32>
    %iota3A = tpu.iota {dimensions = array<i32: 1>} : vector<1x32768xi32>
    %convert_element_type3A_7 = arith.sitofp %iota3A : vector<1x32768xi32> to vector<1x32768xf32>
    %mul3A = arith.mulf %get3A_6, %get3A_6 : vector<64x32768xf32>
    %reduce_sum3A = arith.constant dense<0.000000e+00> : vector<32768xf32>
    %reduce_sum3A_8 = vector.multi_reduction <add>, %mul3A, %reduce_sum3A [0] : vector<64x32768xf32> to vector<32768xf32>
    %broadcast_in_dim3A = vector.shape_cast %reduce_sum3A_8 : vector<32768xf32> to vector<1x32768xf32>
    %sqrt3A = math.sqrt %broadcast_in_dim3A : vector<1x32768xf32>
    %max3A = arith.constant 9.99999996E-13 : f32
    %max3A_9 = vector.broadcast %max3A : f32 to vector<1x32768xf32>
    %max3A_10 = arith.maximumf %sqrt3A, %max3A_9 : vector<1x32768xf32>
    %eq3A_11 = arith.constant 30 : i32
    %eq3A_12 = arith.cmpi eq, %arg0, %eq3A_11 : i32
    %jit3A = arith.constant 1.696000e+04 : f32
    %jit3A_13 = arith.constant 0x7F800000 : f32
    %select_n3A = arith.select %eq3A_12, %jit3A, %jit3A_13 : f32
    %ge3A = vector.broadcast %select_n3A : f32 to vector<1x32768xf32>
    %ge3A_14 = arith.cmpf oge, %convert_element_type3A_7, %ge3A : vector<1x32768xf32>
    %jit3A_15 = arith.constant 0x7F800000 : f32
    %broadcast_in_dim3A_16 = vector.broadcast %jit3A_15 : f32 to vector<1x32768xf32>
    %select_n3A_17 = arith.select %ge3A_14, %broadcast_in_dim3A_16, %max3A_10 : vector<1x32768xi1>, vector<1x32768xf32>
    %div3A = arith.constant 1.000000e+00 : f32
    %div3A_18 = vector.broadcast %div3A : f32 to vector<1x32768xf32>
    %div3A_19 = arith.divf %div3A_18, %select_n3A_17 : vector<1x32768xf32>
    %mul3A_20 = vector.broadcast %div3A_19 : vector<1x32768xf32> to vector<64x32768xf32>
    %mul3A_21 = arith.mulf %get3A_6, %mul3A_20 : vector<64x32768xf32>
    %dot_general3A = arith.constant dense<0.000000e+00> : vector<64x32768xf32>
    %dot_general3A_22 = tpu.matmul %get3A_3, %mul3A_21, %dot_general3A {dimension_numbers = #tpu.dot_dimension_numbers<[1], [0], [0], [1], [0, 0, 1, 1], [], []>, transpose_lhs_hint = false} : vector<64x64xf32>, vector<64x32768xf32>, vector<64x32768xf32> -> vector<64x32768xf32>
    %reduce_max3A = arith.constant dense<0xFF800000> : vector<64xf32>
    %reduce_max3A_23 = vector.multi_reduction <maximumf>, %dot_general3A_22, %reduce_max3A [1] : vector<64x32768xf32> to vector<64xf32>
    %broadcast_in_dim3A_24 = vector.shape_cast %reduce_max3A_23 : vector<64xf32> to vector<64x1xf32>
    %eq3A_25 = vector.broadcast %broadcast_in_dim3A_24 : vector<64x1xf32> to vector<64x32768xf32>
    %eq3A_26 = arith.cmpf oeq, %dot_general3A_22, %eq3A_25 : vector<64x32768xf32>
    %jit3A_27 = arith.constant 3.276800e+04 : f32
    %broadcast_in_dim3A_28 = vector.shape_cast %convert_element_type3A_7 : vector<1x32768xf32> to vector<1x32768xf32>
    %broadcast_in_dim3A_29 = vector.broadcast %broadcast_in_dim3A_28 : vector<1x32768xf32> to vector<64x32768xf32>
    %broadcast_in_dim3A_30 = vector.broadcast %jit3A_27 : f32 to vector<64x32768xf32>
    %select_n3A_31 = arith.select %eq3A_26, %broadcast_in_dim3A_29, %broadcast_in_dim3A_30 : vector<64x32768xi1>, vector<64x32768xf32>
    %reduce_min3A = arith.constant dense<0x7F800000> : vector<64xf32>
    %reduce_min3A_32 = vector.multi_reduction <minimumf>, %select_n3A_31, %reduce_min3A [1] : vector<64x32768xf32> to vector<64xf32>
    %convert_element_type3A_33 = arith.fptosi %reduce_min3A_32 : vector<64xf32> to vector<64xi32>
    %get3A_34 = arith.constant 0 : index
    %get3A_35 = arith.constant 0 : index
    %get3A_36 = vector.load %arg3[%get3A_34, %get3A_35] : memref<1x64xf32, #tpu.memory_space<vmem>>, vector<1x64xf32>
    %get3A_37 = vector.shape_cast %get3A_36 : vector<1x64xf32> to vector<64xf32>
    %gt3A = arith.cmpf ogt, %reduce_max3A_23, %get3A_37 : vector<64xf32>
    %select_n3A_38 = arith.select %gt3A, %reduce_max3A_23, %get3A_37 : vector<64xi1>, vector<64xf32>
    %swap3A = arith.constant 0 : index
    %swap3A_39 = arith.constant 0 : index
    %swap3A_40 = vector.load %arg3[%swap3A, %swap3A_39] : memref<1x64xf32, #tpu.memory_space<vmem>>, vector<1x64xf32>
    %swap3A_41 = vector.shape_cast %swap3A_40 : vector<1x64xf32> to vector<64xf32>
    %swap3A_42 = vector.shape_cast %select_n3A_38 : vector<64xf32> to vector<1x64xf32>
    tpu.vector_store %arg3[%swap3A, %swap3A_39], %swap3A_42 {strides = array<i32>} : memref<1x64xf32, #tpu.memory_space<vmem>>, vector<1x64xf32>,
    %mul3A_43 = arith.constant 32768 : i32
    %mul3A_44 = arith.muli %arg0, %mul3A_43 : i32
    %add3A = vector.broadcast %mul3A_44 : i32 to vector<64xi32>
    %add3A_45 = arith.addi %add3A, %convert_element_type3A_33 : vector<64xi32>
    %get3A_46 = arith.constant 0 : index
    %get3A_47 = arith.constant 0 : index
    %get3A_48 = vector.load %arg4[%get3A_46, %get3A_47] : memref<1x64xi32, #tpu.memory_space<vmem>>, vector<1x64xi32>
    %get3A_49 = vector.shape_cast %get3A_48 : vector<1x64xi32> to vector<64xi32>
    %select_n3A_50 = arith.select %gt3A, %add3A_45, %get3A_49 : vector<64xi1>, vector<64xi32>
    %swap3A_51 = arith.constant 0 : index
    %swap3A_52 = arith.constant 0 : index
    %swap3A_53 = vector.load %arg4[%swap3A_51, %swap3A_52] : memref<1x64xi32, #tpu.memory_space<vmem>>, vector<1x64xi32>
    %swap3A_54 = vector.shape_cast %swap3A_53 : vector<1x64xi32> to vector<64xi32>
    %swap3A_55 = vector.shape_cast %select_n3A_50 : vector<64xi32> to vector<1x64xi32>
    tpu.vector_store %arg4[%swap3A_51, %swap3A_52], %swap3A_55 {strides = array<i32>} : memref<1x64xi32, #tpu.memory_space<vmem>>, vector<1x64xi32>,
    return
  }
  func.func @transform_0(%arg0: i32) -> (i32, i32) {
    %c0_i32 = arith.constant 0 : i32
    %c0_i32_0 = arith.constant 0 : i32
    %c0_i32_1 = arith.constant 0 : i32
    return %c0_i32, %c0_i32_0 : i32, i32
  }
  func.func @transform_1(%arg0: i32) -> (i32, i32) {
    %c0_i32 = arith.constant 0 : i32
    %c0_i32_0 = arith.constant 0 : i32
    return %c0_i32, %arg0 : i32, i32
  }
  func.func @transform_2(%arg0: i32) -> (i32, i32) {
    %c0_i32 = arith.constant 0 : i32
    %c0_i32_0 = arith.constant 0 : i32
    %c0_i32_1 = arith.constant 0 : i32
    return %c0_i32, %c0_i32_0 : i32, i32
  }
  func.func @transform_3(%arg0: i32) -> (i32, i32) {
    %c0_i32 = arith.constant 0 : i32
    %c0_i32_0 = arith.constant 0 : i32
    %c0_i32_1 = arith.constant 0 : i32
    return %c0_i32, %c0_i32_0 : i32, i32
  }
}

</mosaic_0001>

<sc_bundles>
// kernel: kernel.4.cloned.1.call-start
scs
__scs_entry_jumppad:
0x0: {  	(pc) =	sbr.rel $0x88, $3  }
0x1: {  	(tag) =	ssettag $0x0;
	lr =	simm.s32 $0x1  }
0x2: {  	[smem:$0x3F9E] =	sst lr;
	_ =	strace $0xD0000000  }
0x3: {  	_ = 	snop  }
0x4: {  	_ = 	snop  }
0x5: {  	_ = 	snop  }
0x6: {  	_ = 	snop  }
0x7: {  	_ = 	snop  }
__scs_overlays_trampoline_lowered:
0x8: {  	[smem:$0x3FAD] =	sst s0  }
0x9: {  	[smem:$0x3FAE] =	sst s1  }
0xa: {  	[smem:$0x3FAF] =	sst s2  }
0xb: {  	[smem:$0x3FB0] =	sst s3  }
0xc: {  	[smem:$0x3FB1] =	sst s4  }
0xd: {  	[smem:$0x3FB2] =	sst s5  }
0xe: {  	[smem:$0x3FB3] =	sst s6  }
0xf: {  	[smem:$0x3FB4] =	sst s7  }
0x10: {  	[smem:$0x3FB5] =	sst s8  }
0x11: {  	[smem:$0x3FB6] =	sst s9;
	s0 =	simm.s32 @!p0 $0x0  }
0x12: {  	s1 =	sld [smem:$0x3F9C];
	s0 =	simm.s32 @p0 $0x1  }
0x13: {  	[smem:$0x3FB7] =	sst s0;
	s0 =	simm.s32 @!p1 $0x0  }
0x14: {  	s2 =	sld [smem:$0x3F9B];
	s0 =	simm.s32 @p1 $0x1  }
0x15: {  	[smem:$0x3FB8] =	sst s0;
	s0 =	simm.s32 @!p2 $0x0  }
0x16: {  	s3 =	sld [smem:$0x3FDB];
	s0 =	simm.s32 @p2 $0x1  }
0x17: {  	s4 =	simm.s32 $0x1BF5;
	[smem:$0x3FBA] =	sst s0  }
0x18: {  	s0 =	sld [smem:$0x3F9D];
	_ =	swait.ge [sflag:s4], $0x0  }
0x19: {  	s7 =	sld [smem:$0x3F9E]  }
0x1a: {  	s8 =	sadd.s32 $0xFFFFE003, lr  }
0x1b: {  	s9 =	sadd.s32 $0xFFFFFEF7, lr;
	s5 =	simm.s32 $0xFFFFFFFF;
	p2 =	slt.u32 s8, $0xFFFFF086  }
0x1c: {  	p1 =	slt.u32 s9, $0xF7A;
	s5 =	simm.s32 @!p2 $0x0  }
0x1d: {  	s5 =	simm.s32 @p1 $0x1;
	p0 =	seq.s32 s7, s2  }
0x1e: {  	s7 =	smul.u32 @!p0 $0xF7A, s2;
	p2 =	seq.s32 @!p0 s5, $0x0  }
0x1f: {  	s9 =	smul.u32 $0xF7A, s1;
	s8 =	simm.s32 @!p0 $0x1BF5;
	p2 =	por !p2, p0  }
0x20: {  	[sflag:s8] =	ssyncset.s32 @!p0 $0xFFFFF086;
	s6 =	sadd.s32 @!p0 s3, s7;
	s7 =	simm.s32 @!p0 $0x108  }
0x21: {  	s3 =	sadd.s32 s3, s9;
	s6 =	sadd.s32 @!p0 $0x88, s6;
	s7 =	simm.s32 @p2 $0x1082  }
0x22: {  	[simem:s7], [sflag:s8] =	dma.local @!p0 [hbm:s6], $0xF7A  }
0x23: {  	s9 =	sor.u32 $0xD0000000, s2;
	s6 =	simm.s32 $0x108;
	_ =	swait.ge @!p0 [sflag:s8], $0x0  }
0x24: {  	s3 =	sadd.s32 $0x88, s3;
	s6 =	simm.s32 @!p1 $0x1082;
	[sflag:s4] =	ssyncset.s32 $0xFFFFF086  }
0x25: {  	[simem:s6], [sflag:s4] =	dma.local [hbm:s3], $0xF7A  }
0x26: {  	[smem:$0x3F9E] =	sst s1;
	(tag) =	ssettag s2;
	_ =	strace s9  }
0x27: {  	s1 =	sld [smem:$0x3FAE]  }
0x28: {  	s2 =	sld [smem:$0x3FAF]  }
0x29: {  	s4 =	sld [smem:$0x3FB1]  }
0x2a: {  	p0 =	seq.s32 s5, $0x0;
	s5 =	sld [smem:$0x3FB2]  }
0x2b: {  	s6 =	sld [smem:$0x3FB3]  }
0x2c: {  	s7 =	sld [smem:$0x3FB4]  }
0x2d: {  	s3 =	simm.s32 $0x108;
	s8 =	sld [smem:$0x3FB5]  }
0x2e: {  	s3 =	simm.s32 @!p0 $0x1082;
	s9 =	sld [smem:$0x3FB6]  }
0x2f: {  	lr =	sadd.s32 s0, s3;
	s0 =	sld [smem:$0x3FAD]  }
0x30: {  	s3 =	sld [smem:$0x3FB0]  }
0x31: {  	[smem:$0x3FB9] =	sst s10  }
0x32: {  	s10 =	sld [smem:$0x3FB7];
	_ =	sdelay $0x3  }
0x33: {  	p0 =	seq.s32 s10, $0x1;
	s10 =	sld [smem:$0x3FB9];
	_ =	sdelay $0x3  }
0x34: {  	[smem:$0x3FB9] =	sst s10  }
0x35: {  	s10 =	sld [smem:$0x3FB8];
	_ =	sdelay $0x3  }
0x36: {  	p1 =	seq.s32 s10, $0x1;
	s10 =	sld [smem:$0x3FB9];
	_ =	sdelay $0x3  }
0x37: {  	[smem:$0x3FB9] =	sst s10  }
0x38: {  	s10 =	sld [smem:$0x3FBA]  }
0x39: {  	_ = 	snop;
	(pc) =	sbr.ind lr, $3  }
0x3a: {  	_ = 	snop  }
0x3b: {  	_ = 	snop  }
0x3c: {  	p2 =	seq.s32 s10, $0x1;
	s10 =	sld [smem:$0x3FB9]  }
0x3d: {  	_ =	shalt  }
0x3e: {  	_ =	shalt  }
0x3f: {  	_ =	shalt  }
0x40: {  	_ =	shalt  }
0x41: {  	_ =	shalt  }
0x42: {  	_ =	shalt  }
0x43: {  	_ =	shalt  }
0x44: {  	_ =	shalt  }
0x45: {  	_ =	shalt  }
0x46: {  	_ =	shalt  }
0x47: {  	_ =	shalt  }
0x48: {  	_ =	shalt  }
0x49: {  	_ =	shalt  }
0x4a: {  	_ =	shalt  }
0x4b: {  	_ =	shalt  }
0x4c: {  	_ =	shalt  }
0x4d: {  	_ =	shalt  }
0x4e: {  	_ =	shalt  }
0x4f: {  	_ =	shalt  }
0x50: {  	_ =	shalt  }
0x51: {  	_ =	shalt  }
0x52: {  	_ =	shalt  }
0x53: {  	_ =	shalt  }
0x54: {  	_ =	shalt  }
0x55: {  	_ =	shalt  }
0x56: {  	_ =	shalt  }
0x57: {  	_ =	shalt  }
0x58: {  	_ =	shalt  }
0x59: {  	_ =	shalt  }
0x5a: {  	_ =	shalt  }
0x5b: {  	_ =	shalt  }
0x5c: {  	_ =	shalt  }
0x5d: {  	_ =	shalt  }
0x5e: {  	_ =	shalt  }
0x5f: {  	_ =	shalt  }
0x60: {  	_ =	shalt  }
0x61: {  	_ =	shalt  }
0x62: {  	_ =	shalt  }
0x63: {  	_ =	shalt  }
0x64: {  	_ =	shalt  }
0x65: {  	_ =	shalt  }
0x66: {  	_ =	shalt  }
0x67: {  	_ =	shalt  }
0x68: {  	_ =	shalt  }
0x69: {  	_ =	shalt  }
0x6a: {  	_ =	shalt  }
0x6b: {  	_ =	shalt  }
0x6c: {  	_ =	shalt  }
0x6d: {  	_ =	shalt  }
0x6e: {  	_ =	shalt  }
0x6f: {  	_ =	shalt  }
0x70: {  	_ =	shalt  }
0x71: {  	_ =	shalt  }
0x72: {  	_ =	shalt  }
0x73: {  	_ =	shalt  }
0x74: {  	_ =	shalt  }
0x75: {  	_ =	shalt  }
0x76: {  	_ =	shalt  }
0x77: {  	_ =	shalt  }
0x78: {  	_ =	shalt  }
0x79: {  	_ =	shalt  }
0x7a: {  	_ =	shalt  }
0x7b: {  	_ =	shalt  }
0x7c: {  	_ =	shalt  }
0x7d: {  	_ =	shalt  }
0x7e: {  	_ =	shalt  }
0x7f: {  	_ =	shalt  }
0x80: {  	_ =	shalt  }
0x81: {  	_ =	shalt  }
0x82: {  	_ =	shalt  }
0x83: {  	_ =	shalt  }
0x84: {  	_ =	shalt  }
0x85: {  	_ =	shalt  }
0x86: {  	_ =	shalt  }
0x87: {  	_ =	shalt  }
.Lfunc_end0:
.L_simem_size_0:
called_computation_lowered:
.L_overlay_start_0:
0x88: {  	s2 =	sld [smem:$0x3FD9]  }
0x89: {  	s3 =	sld [smem:$0x3FFE];
	_ =	sdelay $0x1  }
0x8a: {  	s1 =	srdreg.scid  }
0x8b: {  	s0 =	sand.u32 $0x1, s1  }
0x8c: {  	s14 =	sshll.u32 s0, $0xA;
	s2 =	sadd.s32 s3, s2  }
0x8d: {  	s2 =	sadd.s32 s2, s14  }
0x8e: {  	[smem:$0x3FC5] =	sst s2  }
0x8f: {  	_ = 	snop  }
0x90: {  	s2 =	sld [smem:$0x3FD0];
	_ =	sdelay $0x2  }
0x91: {  	s4 =	simm.s32 $0xA;
	s5 =	simm.s32 $0x10;
	s15 =	sld [smem:$0x3FC7]  }
0x92: {  	[smem:s5], [sflag:s4] =	dma.local [hbm:s2], $0x1  }
0x93: {  	_ =	swait.eq [sflag:s4], $0x1  }
0x94: {  	[sflag:s4] =	ssyncset.done $0x0  }
0x95: {  	[sflag:s4] =	ssyncadd.s32 $0xFFFFFFFF  }
0x96: {  	s16 =	sld [smem:$0x10];
	(tm) =	ssettm $0x1  }
0x97: {  	s17 =	sld [smem:$0x3FFB];
	_ =	sdelay $0x3  }
0x98: {  	_ =	strace s17  }
0x99: {  	s4 =	sld [smem:$0x3FFC];
	_ =	sdelay $0x3  }
0x9a: {  	_ =	strace s4  }
0x9b: {  	s4 =	sld [smem:$0x3FFD];
	_ =	sdelay $0x3  }
0x9c: {  	_ =	strace s4  }
0x9d: {  	_ =	strace $0x8FFFFFFF  }
0x9e: {  	s18 =	sld [smem:$0x3FDB];
	_ =	sdelay $0x1  }
0x9f: {  	s19 =	simm.s32 $_scs_section_size  }
0xa0: {  	s6 =	simm.s32 $_size__tile_overlayer_lowered;
	s7 =	simm.s32 $_tile_overlayer_lowered  }
0xa1: {  	s22 =	simm.s32 $0x1BFF;
	s21 =	sshll.u32 s7, $0x1;
	s4 =	sadd.s32 s19, s18  }
0xa2: {  	s8 =	simm.s32 $0x0;
	s20 =	sshll.u32 s6, $0x1;
	s6 =	sadd.s32 s21, s4  }
0xa3: {  	[timem:s8], [sflag:s22] =	dma.local [hbm:s6], s20  }
0xa4: {  	_ =	swait.ge [sflag:s22], s20  }
0xa5: {  	s5 =	ssub.s32 $0x0, s20;
	[sflag:s22] =	ssyncset.done $0x0  }
0xa6: {  	[sflag:s22] =	ssyncadd.s32 s5;
	_ =	sdelay $0x1  }
0xa7: {  	s23 =	simm.s32 $0x1B8B  }
0xa8: {  	_ =	swait.ge [sflag:s23], $0x1  }
0xa9: {  	[sflag:s23] =	ssyncset.done $0x0  }
0xaa: {  	s25 =	simm.s32 $0x1B8E;
	s24 =	sld [smem:$0x3FFE];
	[sflag:s23] =	ssyncadd.s32 $0xFFFFFFFF  }
0xab: {  	s26 =	simm.s32 $execute0_lowered;
	[smem:$0x3FD2] =	sst s25  }
0xac: {  	s6 =	sshll.u32 s26, $0x1;
	_ =	strace $0x80000046;
	[dreg:$0x1] =	wrdreg $0xFFFFFFFF  }
0xad: {  	s28 =	simm.s32 $_size_execute0_lowered;
	s4 =	sadd.s32 s4, s6;
	[dreg:$0x0] =	wrdreg $0x0  }
0xae: {  	s6 =	sshll.u32 s28, $0x1;
	[dreg:$0x2] =	wrdreg s4  }
0xaf: {  	[dreg:$0x3] =	wrdreg s6  }
0xb0: {  	[dreg:$0x4] =	wrdreg $0xC0  }
0xb1: {  	_ =	task [dreg:s8], $0x5FFFF  }
0xb2: {  	[dreg:$0x1] =	wrdreg $0xFFFFFFFF  }
0xb3: {  	[dreg:$0x0] =	wrdreg $0x60  }
0xb4: {  	[dreg:$0x2] =	wrdreg s15  }
0xb5: {  	[dreg:$0x3] =	wrdreg s24  }
0xb6: {  	[dreg:$0x4] =	wrdreg s16  }
0xb7: {  	[dreg:$0x5] =	wrdreg $0x9  }
0xb8: {  	_ =	task.clear_ibuf [dreg:s8], $0x6FFFF;
	_ =	strace $0x90000046  }
0xb9: {  	s29 =	simm.s32 $0x9;
	_ =	strace $0x80000048  }
0xba: {  	_ =	swait.ge [sflag:s29], $0x1  }
0xbb: {  	[sflag:s29] =	ssyncadd.s32 $0xFFFFFFFF  }
0xbc: {  	_ =	strace $0x90000048  }
0xbd: {  	_ =	sfence  }
0xbe: {  	s30 =	sld [smem:$0x0];
	_ =	sdelay $0x2  }
0xbf: {  	s31 =	sshll.u32 s1, $0xD;
	s1 =	sshrl.u32 s1, $0x2  }
0xc0: {  	s3 =	sand.u32 $0x4000, s31;
	s1 =	sadd.s32 s1, s30  }
0xc1: {  	s0 =	sor.u32 s3, s0;
	s1 =	sshll.u32 s1, $0x11  }
0xc2: {  	s0 =	sor.u32 s1, s0  }
0xc3: {  	s0 =	sadd.s32 $0x8F2B, s0  }
0xc4: {  	[sflag:s0] =	ssyncadd.remote.s32 $0x1  }
0xc5: {  	_ =	sfence.sel $0xFFFF  }
0xc6: {  	[dreg:$0x0] =	wrdreg $0xFFFFFFFF;
	(pc) =	sbr.abs _section_cstart, $3  }
0xc7: {  	[dreg:$0x1] =	wrdreg $0xFFFFFFFF  }
0xc8: {  	_ =	task.clear_ibuf [dreg:s8], $0x2FFFF;
	_ =	strace $0x9FFFFFFF  }
0xc9: {  	(tm) =	ssettm $0x7FFFFFFF  }
tec
execute0_lowered:
.L_overlay_start_1:
0x0: {  	(tag) =	ssettag $0x1  }
0x1: {  	s0 =	srdreg.scid  }
0x2: {  	s7 =	sand.u32 $0x1, s0;
	s0 =	stileid.u32  }
0x3: {  	s5 =	sshll.u32 s0, $0x1;
	s6 =	ssub.s32 $0x0, s7  }
0x4: {  	p0 =	sne.s32 s5, s6  }
.Ltmp0:
0x5: {  	_ = 	snop;
	(pc) =	sbr.rel @p0 .LBB2_4-.Ltmp0, $4  }
0x6: {  	s2 =	rddreg [dreg:$0x0]  }
0x7: {  	s4 =	rddreg [dreg:$0x1]  }
0x8: {  	s3 =	rddreg [dreg:$0x2]  }
0x9: {  	s1 =	rddreg [dreg:$0x3];
	_ =	strace $0x80000047  }
0xa: {  	s4 =	sadd.s32 $0xA00, s4  }
0xb: {  	s6 =	simm.s32 $0x0;
	s5 =	simm.s32 $0x2;
	s10 =	ssub.s32 $0x2, s7  }
0xc: {  	[tilespmem:s6], [sflag:$0x2] =	stream.linear.gather [hbm4b:s4+s6], $0x80, $0x38;
	[tilespmem:$0x100] =	vst v63  }
0xd: {  	s7 =	simm.s32 $0x40;
	s11 =	sshrl.u32 s10, $0x1;
	_ =	swait.ge [sflag:s5], $0x80  }
0xe: {  	s8 =	simm.s32 $0x80;
	s10 =	ssub.s32 s10, s11;
	[sflag:s5] =	ssyncset.done $0x0  }
0xf: {  	s9 =	simm.s32 $0x1;
	s10 =	smax.u32 s10, $0x1;
	[sflag:s5] =	ssyncadd.s32 $0xFFFFFF80  }
0x10: {  	[tilespmem:s8], [sflag:$0x1] =	stream.indirect.gather [hbm4b:s2+s7], $0x1, s6, s7, $0xb8;
	[tilespmem:$0x100] =	vst v63  }
0x11: {  	p0 =	sne.s32 s10, $0x1;
	_ =	swait.ge [sflag:s9], $0x40  }
.Ltmp1:
0x12: {  	[sflag:s9] =	ssyncset.done $0x0;
	(pc) =	sbr.rel @!p0 .LBB2_3-.Ltmp1, $4  }
0x13: {  	[sflag:s9] =	ssyncadd.s32 $0xFFFFFFC0  }
0x14: {  	[hbm4b:s3+s6] =	stream.linear.scatter [tilespmem:s8], [sflag:$0x2], $0x80, $0x38;
	[tilespmem:$0x100] =	vst v63  }
0x15: {  	_ =	swait.ge [sflag:s5], $0x80  }
0x16: {  	s10 =	sadd.s32 $0xFFFFFFFF, s10;
	[sflag:s5] =	ssyncset.done $0x0  }
.LBB2_2:
0x17: {  	p0 =	sne.s32 s10, $0x1;
	s10 =	sadd.s32 $0xFFFFFFFF, s10;
	[sflag:s5] =	ssyncadd.s32 $0xFFFFFF80  }
0x18: {  	[tilespmem:s6], [sflag:$0x2] =	stream.linear.gather [hbm4b:s4+s6], $0x80, $0x38;
	[tilespmem:$0x100] =	vst v63  }
0x19: {  	_ =	swait.ge [sflag:s5], $0x80  }
0x1a: {  	[sflag:s5] =	ssyncset.done $0x0  }
0x1b: {  	[sflag:s5] =	ssyncadd.s32 $0xFFFFFF80  }
0x1c: {  	[tilespmem:s8], [sflag:$0x1] =	stream.indirect.gather [hbm4b:s2+s7], $0x1, s6, s7, $0xb8;
	[tilespmem:$0x100] =	vst v63  }
0x1d: {  	_ =	swait.ge [sflag:s9], $0x40  }
.Ltmp2:
0x1e: {  	[sflag:s9] =	ssyncset.done $0x0;
	(pc) =	sbr.rel @p0 .LBB2_2-.Ltmp2, $4  }
0x1f: {  	[sflag:s9] =	ssyncadd.s32 $0xFFFFFFC0  }
0x20: {  	[hbm4b:s3+s6] =	stream.linear.scatter [tilespmem:s8], [sflag:$0x2], $0x80, $0x38;
	[tilespmem:$0x100] =	vst v63  }
0x21: {  	_ =	swait.ge [sflag:s5], $0x80  }
0x22: {  	[sflag:s5] =	ssyncset.done $0x0  }
.LBB2_3:
0x23: {  	[sflag:s5] =	ssyncadd.s32 $0xFFFFFF80  }
.LBB2_4:
0x24: {  	_ =	sfence.sel $0x180000  }
0x25: {  	[bflag:$0x0] =	sbarrier.arrive $0xFFFF  }
0x26: {  	p0 =	sne.s32 s0, $0x0;
	_ =	strace $0x90000047  }
0x27: {  	s0 =	sadd.s32 @!p0 $0x100000, s1;
	[bflag:$0x2] =	sbarrier.arrive $0xFFFF  }
0x28: {  	[sflag:s0] =	ssyncadd.tile.s32 @!p0 $0x1;
	_ =	shalt  }
.Lfunc_end2:
_tile_overlayer_lowered:
.L_overlay_start_2:
0x29: {  	(tag) =	ssettag $0x2  }
0x2a: {  	s0 =	rddreg [dreg:$0x0];
	s2 =	stileid.u32  }
0x2b: {  	s1 =	rddreg [dreg:$0x1];
	p0 =	sne.s32 s2, $0x0  }
0x2c: {  	s3 =	rddreg [dreg:$0x2];
	[bflag:$0x3] =	sbarrier.arrive $0xFFFF;
	s2 =	simm.s32 @!p0 $0x1C02  }
0x2d: {  	[timem:s3], [sflag:s2] =	dma.local @!p0 [hbm:s0], s1  }
0x2e: {  	s0 =	simm.s32 @!p0 $0x2  }
0x2f: {  	_ =	swait.ge @!p0 [sflag:s0], s1  }
0x30: {  	s1 =	ssub.s32 @!p0 $0x0, s1;
	[sflag:s0] =	ssyncset.done @!p0 $0x0  }
0x31: {  	[sflag:s0] =	ssyncadd.s32 @!p0 s1  }
0x32: {  	[bflag:$0x3] =	sbarrier.arrive $0xFFFF  }
0x33: {  	_ =	shalt  }

</sc_bundles>
